<compile_context>
chip_gen: v7x
topology: tpu7x:2x2x1
jax: 0.10.2.dev20260603
libtpu: 0.0.44.dev20260713+nightly
codegen_flags: <defaults>
</compile_context>

<pallas_src>
import functools

import jax
import jax.numpy as jnp
from jax import lax
from jax.experimental import pallas as pl
from jax.experimental.pallas import tpu as pltpu
from jax.experimental.pallas import tpu_sc as plsc

_NC = 2
_NS = 16
_L = 16
_NW = _NC * _NS
_UNROLL = 4


@functools.lru_cache(maxsize=None)
def _make_sc_gather(B, N, E):
    F = N * N
    assert B % (4 * _NW) == 0 and E % (_L * _UNROLL) == 0
    bpw = B // _NW
    chunks = E // _L
    mesh = plsc.VectorSubcoreMesh(core_axis_name="c", subcore_axis_name="s")

    @functools.partial(
        pl.kernel,
        out_type=jax.ShapeDtypeStruct((B, E), jnp.float32),
        mesh=mesh,
        compiler_params=pltpu.CompilerParams(needs_layout_passes=False),
        scratch_types=[
            pltpu.VMEM((E,), jnp.int32),
            pltpu.VMEM((E,), jnp.int32),
            pltpu.VMEM((E,), jnp.int32),
            pltpu.VMEM((2 * F,), jnp.float32),
            pltpu.VMEM((2 * F,), jnp.float32),
            pltpu.VMEM((E,), jnp.float32),
            pltpu.VMEM((E,), jnp.float32),
            pltpu.VMEM((E,), jnp.float32),
            pltpu.VMEM((E,), jnp.float32),
            pltpu.SemaphoreType.DMA,
            pltpu.SemaphoreType.DMA,
            pltpu.SemaphoreType.DMA,
            pltpu.SemaphoreType.DMA,
        ],
    )
    def k(x_hbm, rows_hbm, cols_hbm, out_hbm,
          idx_v, rows_v, cols_v, xva, xvb, ova0, ova1, ovb0, ovb1,
          sia, sib, soa, sob):
        wid = lax.axis_index("s") * _NC + lax.axis_index("c")
        base = wid * bpw

        pltpu.sync_copy(rows_hbm, rows_v)
        pltpu.sync_copy(cols_hbm, cols_v)

        @plsc.parallel_loop(0, chunks, 1, unroll=_UNROLL)
        def _(m):
            sl = pl.ds(m * _L, _L)
            idx_v[sl] = rows_v[sl] * N + cols_v[sl]

        def gather(xv, ov0, ov1):
            @plsc.parallel_loop(0, chunks, 1, unroll=_UNROLL)
            def _(m):
                sl = pl.ds(m * _L, _L)
                iv = idx_v[sl]
                ov0[sl] = plsc.load_gather(xv, [iv])
                ov1[sl] = plsc.load_gather(xv, [iv + F])

        def step(k_, b, xv, ov0, ov1, si, so):
            pltpu.make_async_copy(
                x_hbm.at[pl.ds(b * F, 2 * F)], xv, si).wait()

            @pl.when(k_ > 0)
            def _():
                pltpu.make_async_copy(ov0, out_hbm.at[b], so).wait()
                pltpu.make_async_copy(ov1, out_hbm.at[b], so).wait()

            gather(xv, ov0, ov1)
            pltpu.async_copy(ov0, out_hbm.at[b], so)
            pltpu.async_copy(ov1, out_hbm.at[b + 1], so)

            @pl.when(b + 4 < base + bpw)
            def _():
                pltpu.async_copy(
                    x_hbm.at[pl.ds((b + 4) * F, 2 * F)], xv, si)

        pltpu.async_copy(x_hbm.at[pl.ds(base * F, 2 * F)], xva, sia)
        pltpu.async_copy(x_hbm.at[pl.ds((base + 2) * F, 2 * F)], xvb, sib)

        def batch_body(k_, carry):
            step(k_, base + 4 * k_, xva, ova0, ova1, sia, soa)
            step(k_, base + 4 * k_ + 2, xvb, ovb0, ovb1, sib, sob)
            return carry

        lax.fori_loop(0, bpw // 4, batch_body, 0)
        pltpu.make_async_copy(ova0, out_hbm.at[base], soa).wait()
        pltpu.make_async_copy(ova1, out_hbm.at[base], soa).wait()
        pltpu.make_async_copy(ovb0, out_hbm.at[base], sob).wait()
        pltpu.make_async_copy(ovb1, out_hbm.at[base], sob).wait()

    return k


def kernel(x, rows, cols):
    B, N, _ = x.shape
    E = rows.shape[0]
    k = _make_sc_gather(B, N, E)
    return k(x.reshape(-1), rows.astype(jnp.int32), cols.astype(jnp.int32))

# --- scband reference (transcript-rebuilt; emitter-appended) ---
"""Pipeline reference for scband-extract-upper-triangular-batched-2817498546823 (READ-ONLY COPY).

The authoritative reference and input builder live on the scoring server;
editing this copy changes nothing except your own understanding.
"""

import jax, jax.numpy as jnp
import numpy as np

N_PORTS = 128

def setup_inputs(seed: int = 0) -> dict:
    key = jax.random.key(seed)
    x = jax.random.normal(key, (4096, N_PORTS, N_PORTS), dtype=jnp.float32)
    iu = np.triu_indices(N_PORTS, k=1)
    rows = jnp.asarray(iu[0], dtype=jnp.int32)
    cols = jnp.asarray(iu[1], dtype=jnp.int32)
    return {"x": x, "rows": rows, "cols": cols}

def reference(x, rows, cols):
    # Faithful translation of x[:, triu_rows, triu_cols].float()
    out = x[:, rows, cols]
    return out.astype(jnp.float32)

if __name__ == "__main__":
    import jax
    _d = setup_inputs()
    print(jax.jit(kernel)(*tuple(_d.values())))

</pallas_src>

<mosaic_0001>
#map = affine_map<(d0, d1) -> (0)>
#map1 = affine_map<(d0, d1) -> (0, 0)>
module attributes {stable_mosaic.version = 14 : i64} {
  func.func @k(%arg0: i32, %arg1: i32, %arg2: memref<67108864xf32, #tpu.memory_space<hbm>>, %arg3: memref<8128xi32, #tpu.memory_space<hbm>>, %arg4: memref<8128xi32, #tpu.memory_space<hbm>>, %arg5: memref<4096x8128xf32, #tpu.memory_space<hbm>>, %arg6: memref<8128xi32, #tpu.memory_space<vmem>>, %arg7: memref<8128xi32, #tpu.memory_space<vmem>>, %arg8: memref<8128xi32, #tpu.memory_space<vmem>>, %arg9: memref<32768xf32, #tpu.memory_space<vmem>>, %arg10: memref<32768xf32, #tpu.memory_space<vmem>>, %arg11: memref<8128xf32, #tpu.memory_space<vmem>>, %arg12: memref<8128xf32, #tpu.memory_space<vmem>>, %arg13: memref<8128xf32, #tpu.memory_space<vmem>>, %arg14: memref<8128xf32, #tpu.memory_space<vmem>>, %arg15: memref<!tpu.dma_semaphore, #tpu.memory_space<semaphore_mem>>, %arg16: memref<!tpu.dma_semaphore, #tpu.memory_space<semaphore_mem>>, %arg17: memref<!tpu.dma_semaphore, #tpu.memory_space<semaphore_mem>>, %arg18: memref<!tpu.dma_semaphore, #tpu.memory_space<semaphore_mem>>) attributes {dimension_semantics = [#tpu.dimension_semantics<core_parallel>, #tpu.dimension_semantics<subcore_parallel>], iteration_bounds = array<i64: 2, 16>, scalar_prefetch = 0 : i64, scratch_operands = 13 : i64, tpu.core_type = #tpu.core_type<sc_vector_subcore>, window_params = [{transform_indices = #map}, {transform_indices = #map}, {transform_indices = #map}, {transform_indices = #map1}]} {
    %mul3A = arith.constant 2 : i32
    %mul3A_0 = arith.muli %arg1, %mul3A : i32
    %add3A = arith.addi %mul3A_0, %arg0 : i32
    %mul3A_1 = arith.constant 128 : i32
    %mul3A_2 = arith.muli %add3A, %mul3A_1 : i32
    "tpu.region"() ({
      %run_scoped3A = tpu.sem_alloc : memref<!tpu.dma_semaphore, #tpu.memory_space<semaphore_mem>>
      tpu.enqueue_dma source(%arg3 : memref<8128xi32, #tpu.memory_space<hbm>>) target(%arg7 : memref<8128xi32, #tpu.memory_space<vmem>>) target_semaphore(%run_scoped3A : memref<!tpu.dma_semaphore, #tpu.memory_space<semaphore_mem>>)
      tpu.wait_dma2 semaphore(%run_scoped3A : memref<!tpu.dma_semaphore, #tpu.memory_space<semaphore_mem>>) src(%arg3 : memref<8128xi32, #tpu.memory_space<hbm>>) dst(%arg7 : memref<8128xi32, #tpu.memory_space<vmem>>)
      tpu.yield
    }) : () -> ()
    "tpu.region"() ({
      %run_scoped3A = tpu.sem_alloc : memref<!tpu.dma_semaphore, #tpu.memory_space<semaphore_mem>>
      tpu.enqueue_dma source(%arg4 : memref<8128xi32, #tpu.memory_space<hbm>>) target(%arg8 : memref<8128xi32, #tpu.memory_space<vmem>>) target_semaphore(%run_scoped3A : memref<!tpu.dma_semaphore, #tpu.memory_space<semaphore_mem>>)
      tpu.wait_dma2 semaphore(%run_scoped3A : memref<!tpu.dma_semaphore, #tpu.memory_space<semaphore_mem>>) src(%arg4 : memref<8128xi32, #tpu.memory_space<hbm>>) dst(%arg8 : memref<8128xi32, #tpu.memory_space<vmem>>)
      tpu.yield
    }) : () -> ()
    %parallel_loop3A = arith.constant 0 : i32
    %parallel_loop3A_3 = arith.constant 508 : i32
    %parallel_loop3A_4 = arith.constant 1 : i32
    scf.for %parallel_loop3A_42 = %parallel_loop3A to %parallel_loop3A_3 step %parallel_loop3A_4  : i32 {
      %parallel_loop3A_43 = arith.constant 16 : i32
      %parallel_loop3A_44 = arith.muli %parallel_loop3A_42, %parallel_loop3A_43 : i32
      %parallel_loop3A_45 = arith.index_cast %parallel_loop3A_44 : i32 to index
      %parallel_loop3A_46 = tpu.vector_load %arg7[%parallel_loop3A_45] {strides = array<i32>} : memref<8128xi32, #tpu.memory_space<vmem>>, vector<16xi32>,
      %parallel_loop3A_47 = arith.constant 128 : i32
      %parallel_loop3A_48 = vector.broadcast %parallel_loop3A_47 : i32 to vector<16xi32>
      %parallel_loop3A_49 = arith.muli %parallel_loop3A_46, %parallel_loop3A_48 : vector<16xi32>
      %parallel_loop3A_50 = arith.index_cast %parallel_loop3A_44 : i32 to index
      %parallel_loop3A_51 = tpu.vector_load %arg8[%parallel_loop3A_50] {strides = array<i32>} : memref<8128xi32, #tpu.memory_space<vmem>>, vector<16xi32>,
      %parallel_loop3A_52 = arith.addi %parallel_loop3A_49, %parallel_loop3A_51 : vector<16xi32>
      %parallel_loop3A_53 = arith.index_cast %parallel_loop3A_44 : i32 to index
      %parallel_loop3A_54 = tpu.vector_load %arg6[%parallel_loop3A_53] {strides = array<i32>} : memref<8128xi32, #tpu.memory_space<vmem>>, vector<16xi32>,
      tpu.vector_store %arg6[%parallel_loop3A_53], %parallel_loop3A_52 {strides = array<i32>} : memref<8128xi32, #tpu.memory_space<vmem>>, vector<16xi32>,
    } {sc.loop_unroll_factor = 4 : i64, sc.parallel_access}
    %mul3A_5 = arith.constant 16384 : i32
    %mul3A_6 = arith.muli %mul3A_2, %mul3A_5 : i32
    %dma_start3A = tpu.memref_slice %arg2[%mul3A_6] : memref<67108864xf32, #tpu.memory_space<hbm>> -> memref<32768xf32, #tpu.memory_space<hbm>>
    %dma_start3A_7 = tpu.memref_slice %arg2[%mul3A_6] : memref<67108864xf32, #tpu.memory_space<hbm>> -> memref<32768xf32, #tpu.memory_space<hbm>>
    tpu.enqueue_dma source(%dma_start3A_7 : memref<32768xf32, #tpu.memory_space<hbm>>) target(%arg9 : memref<32768xf32, #tpu.memory_space<vmem>>) target_semaphore(%arg15 : memref<!tpu.dma_semaphore, #tpu.memory_space<semaphore_mem>>)
    %add3A_8 = arith.constant 2 : i32
    %add3A_9 = arith.addi %mul3A_2, %add3A_8 : i32
    %mul3A_10 = arith.constant 16384 : i32
    %mul3A_11 = arith.muli %add3A_9, %mul3A_10 : i32
    %dma_start3A_12 = tpu.memref_slice %arg2[%mul3A_11] : memref<67108864xf32, #tpu.memory_space<hbm>> -> memref<32768xf32, #tpu.memory_space<hbm>>
    %dma_start3A_13 = tpu.memref_slice %arg2[%mul3A_11] : memref<67108864xf32, #tpu.memory_space<hbm>> -> memref<32768xf32, #tpu.memory_space<hbm>>
    tpu.enqueue_dma source(%dma_start3A_13 : memref<32768xf32, #tpu.memory_space<hbm>>) target(%arg10 : memref<32768xf32, #tpu.memory_space<vmem>>) target_semaphore(%arg16 : memref<!tpu.dma_semaphore, #tpu.memory_space<semaphore_mem>>)
    %scan3A = arith.constant 0 : i32
    %scan3A_14 = arith.constant 0 : i32
    %scan3A_15 = arith.constant 32 : i32
    %scan3A_16 = arith.addi %scan3A_14, %scan3A_15 : i32
    %scan3A_17 = arith.constant 1 : i32
    scf.for %scan3A_42 = %scan3A_14 to %scan3A_16 step %scan3A_17  : i32 {
      %mul3A_43 = arith.constant 4 : i32
      %mul3A_44 = arith.muli %mul3A_43, %scan3A_42 : i32
      %add3A_45 = arith.addi %mul3A_2, %mul3A_44 : i32
      %mul3A_46 = arith.constant 16384 : i32
      %mul3A_47 = arith.muli %add3A_45, %mul3A_46 : i32
      %dma_wait3A_48 = tpu.memref_slice %arg2[%mul3A_47] : memref<67108864xf32, #tpu.memory_space<hbm>> -> memref<32768xf32, #tpu.memory_space<hbm>>
      %dma_wait3A_49 = tpu.memref_slice %arg2[%mul3A_47] : memref<67108864xf32, #tpu.memory_space<hbm>> -> memref<32768xf32, #tpu.memory_space<hbm>>
      tpu.wait_dma2 semaphore(%arg15 : memref<!tpu.dma_semaphore, #tpu.memory_space<semaphore_mem>>) src(%dma_wait3A_49 : memref<32768xf32, #tpu.memory_space<hbm>>) dst(%arg9 : memref<32768xf32, #tpu.memory_space<vmem>>)
      %gt3A = arith.constant 0 : i32
      %gt3A_50 = arith.cmpi sgt, %scan3A_42, %gt3A : i32
      %convert_element_type3A = arith.extui %gt3A_50 : i1 to i32
      %cond3A = arith.constant 0 : i32
      %cond3A_51 = arith.cmpi ne, %convert_element_type3A, %cond3A : i32
      scf.if %cond3A_51 {
        %dma_wait3A_115 = arith.constant 0 : i32
        %dma_wait3A_116 = tpu.memref_slice %arg5[%add3A_45, %dma_wait3A_115] : memref<4096x8128xf32, #tpu.memory_space<hbm>> -> memref<1x8128xf32, #tpu.memory_space<hbm>>
        %dma_wait3A_117 = tpu.memref_squeeze %dma_wait3A_116 : memref<1x8128xf32, #tpu.memory_space<hbm>> -> memref<8128xf32, #tpu.memory_space<hbm>>
        %dma_wait3A_118 = arith.constant 0 : i32
        %dma_wait3A_119 = tpu.memref_slice %arg5[%add3A_45, %dma_wait3A_118] : memref<4096x8128xf32, #tpu.memory_space<hbm>> -> memref<1x8128xf32, #tpu.memory_space<hbm>>
        %dma_wait3A_120 = tpu.memref_squeeze %dma_wait3A_119 : memref<1x8128xf32, #tpu.memory_space<hbm>> -> memref<8128xf32, #tpu.memory_space<hbm>>
        tpu.wait_dma2 semaphore(%arg17 : memref<!tpu.dma_semaphore, #tpu.memory_space<semaphore_mem>>) src(%arg11 : memref<8128xf32, #tpu.memory_space<vmem>>) dst(%dma_wait3A_120 : memref<8128xf32, #tpu.memory_space<hbm>>)
        %dma_wait3A_121 = arith.constant 0 : i32
        %dma_wait3A_122 = tpu.memref_slice %arg5[%add3A_45, %dma_wait3A_121] : memref<4096x8128xf32, #tpu.memory_space<hbm>> -> memref<1x8128xf32, #tpu.memory_space<hbm>>
        %dma_wait3A_123 = tpu.memref_squeeze %dma_wait3A_122 : memref<1x8128xf32, #tpu.memory_space<hbm>> -> memref<8128xf32, #tpu.memory_space<hbm>>
        %dma_wait3A_124 = arith.constant 0 : i32
        %dma_wait3A_125 = tpu.memref_slice %arg5[%add3A_45, %dma_wait3A_124] : memref<4096x8128xf32, #tpu.memory_space<hbm>> -> memref<1x8128xf32, #tpu.memory_space<hbm>>
        %dma_wait3A_126 = tpu.memref_squeeze %dma_wait3A_125 : memref<1x8128xf32, #tpu.memory_space<hbm>> -> memref<8128xf32, #tpu.memory_space<hbm>>
        tpu.wait_dma2 semaphore(%arg17 : memref<!tpu.dma_semaphore, #tpu.memory_space<semaphore_mem>>) src(%arg12 : memref<8128xf32, #tpu.memory_space<vmem>>) dst(%dma_wait3A_126 : memref<8128xf32, #tpu.memory_space<hbm>>)
      } else {
      }
      %parallel_loop3A_52 = arith.constant 0 : i32
      %parallel_loop3A_53 = arith.constant 508 : i32
      %parallel_loop3A_54 = arith.constant 1 : i32
      scf.for %parallel_loop3A_115 = %parallel_loop3A_52 to %parallel_loop3A_53 step %parallel_loop3A_54  : i32 {
        %parallel_loop3A_116 = arith.constant 16 : i32
        %parallel_loop3A_117 = arith.muli %parallel_loop3A_115, %parallel_loop3A_116 : i32
        %parallel_loop3A_118 = arith.index_cast %parallel_loop3A_117 : i32 to index
        %parallel_loop3A_119 = tpu.vector_load %arg6[%parallel_loop3A_118] {strides = array<i32>} : memref<8128xi32, #tpu.memory_space<vmem>>, vector<16xi32>,
        %parallel_loop3A_120 = tpu.vector_load_idx %arg9[%parallel_loop3A_119] : memref<32768xf32, #tpu.memory_space<vmem>>[vector<16xi32>], vector<16xf32>,
        %parallel_loop3A_121 = arith.index_cast %parallel_loop3A_117 : i32 to index
        %parallel_loop3A_122 = tpu.vector_load %arg11[%parallel_loop3A_121] {strides = array<i32>} : memref<8128xf32, #tpu.memory_space<vmem>>, vector<16xf32>,
        tpu.vector_store %arg11[%parallel_loop3A_121], %parallel_loop3A_120 {strides = array<i32>} : memref<8128xf32, #tpu.memory_space<vmem>>, vector<16xf32>,
        %parallel_loop3A_123 = arith.constant 16384 : i32
        %parallel_loop3A_124 = vector.broadcast %parallel_loop3A_123 : i32 to vector<16xi32>
        %parallel_loop3A_125 = arith.addi %parallel_loop3A_119, %parallel_loop3A_124 : vector<16xi32>
        %parallel_loop3A_126 = tpu.vector_load_idx %arg9[%parallel_loop3A_125] : memref<32768xf32, #tpu.memory_space<vmem>>[vector<16xi32>], vector<16xf32>,
        %parallel_loop3A_127 = arith.index_cast %parallel_loop3A_117 : i32 to index
        %parallel_loop3A_128 = tpu.vector_load %arg12[%parallel_loop3A_127] {strides = array<i32>} : memref<8128xf32, #tpu.memory_space<vmem>>, vector<16xf32>,
        tpu.vector_store %arg12[%parallel_loop3A_127], %parallel_loop3A_126 {strides = array<i32>} : memref<8128xf32, #tpu.memory_space<vmem>>, vector<16xf32>,
      } {sc.loop_unroll_factor = 4 : i64, sc.parallel_access}
      %dma_start3A_55 = arith.constant 0 : i32
      %dma_start3A_56 = tpu.memref_slice %arg5[%add3A_45, %dma_start3A_55] : memref<4096x8128xf32, #tpu.memory_space<hbm>> -> memref<1x8128xf32, #tpu.memory_space<hbm>>
      %dma_start3A_57 = tpu.memref_squeeze %dma_start3A_56 : memref<1x8128xf32, #tpu.memory_space<hbm>> -> memref<8128xf32, #tpu.memory_space<hbm>>
      %dma_start3A_58 = arith.constant 0 : i32
      %dma_start3A_59 = tpu.memref_slice %arg5[%add3A_45, %dma_start3A_58] : memref<4096x8128xf32, #tpu.memory_space<hbm>> -> memref<1x8128xf32, #tpu.memory_space<hbm>>
      %dma_start3A_60 = tpu.memref_squeeze %dma_start3A_59 : memref<1x8128xf32, #tpu.memory_space<hbm>> -> memref<8128xf32, #tpu.memory_space<hbm>>
      tpu.enqueue_dma source(%arg11 : memref<8128xf32, #tpu.memory_space<vmem>>) target(%dma_start3A_60 : memref<8128xf32, #tpu.memory_space<hbm>>) target_semaphore(%arg17 : memref<!tpu.dma_semaphore, #tpu.memory_space<semaphore_mem>>)
      %add3A_61 = arith.constant 1 : i32
      %add3A_62 = arith.addi %add3A_45, %add3A_61 : i32
      %dma_start3A_63 = arith.constant 0 : i32
      %dma_start3A_64 = tpu.memref_slice %arg5[%add3A_62, %dma_start3A_63] : memref<4096x8128xf32, #tpu.memory_space<hbm>> -> memref<1x8128xf32, #tpu.memory_space<hbm>>
      %dma_start3A_65 = tpu.memref_squeeze %dma_start3A_64 : memref<1x8128xf32, #tpu.memory_space<hbm>> -> memref<8128xf32, #tpu.memory_space<hbm>>
      %dma_start3A_66 = arith.constant 0 : i32
      %dma_start3A_67 = tpu.memref_slice %arg5[%add3A_62, %dma_start3A_66] : memref<4096x8128xf32, #tpu.memory_space<hbm>> -> memref<1x8128xf32, #tpu.memory_space<hbm>>
      %dma_start3A_68 = tpu.memref_squeeze %dma_start3A_67 : memref<1x8128xf32, #tpu.memory_space<hbm>> -> memref<8128xf32, #tpu.memory_space<hbm>>
      tpu.enqueue_dma source(%arg12 : memref<8128xf32, #tpu.memory_space<vmem>>) target(%dma_start3A_68 : memref<8128xf32, #tpu.memory_space<hbm>>) target_semaphore(%arg17 : memref<!tpu.dma_semaphore, #tpu.memory_space<semaphore_mem>>)
      %add3A_69 = arith.constant 4 : i32
      %add3A_70 = arith.addi %add3A_45, %add3A_69 : i32
      %add3A_71 = arith.constant 128 : i32
      %add3A_72 = arith.addi %mul3A_2, %add3A_71 : i32
      %lt3A = arith.cmpi slt, %add3A_70, %add3A_72 : i32
      %convert_element_type3A_73 = arith.extui %lt3A : i1 to i32
      %cond3A_74 = arith.constant 0 : i32
      %cond3A_75 = arith.cmpi ne, %convert_element_type3A_73, %cond3A_74 : i32
      scf.if %cond3A_75 {
        %add3A_115 = arith.constant 4 : i32
        %add3A_116 = arith.addi %add3A_45, %add3A_115 : i32
        %mul3A_117 = arith.constant 16384 : i32
        %mul3A_118 = arith.muli %add3A_116, %mul3A_117 : i32
        %dma_start3A_119 = tpu.memref_slice %arg2[%mul3A_118] : memref<67108864xf32, #tpu.memory_space<hbm>> -> memref<32768xf32, #tpu.memory_space<hbm>>
        %dma_start3A_120 = tpu.memref_slice %arg2[%mul3A_118] : memref<67108864xf32, #tpu.memory_space<hbm>> -> memref<32768xf32, #tpu.memory_space<hbm>>
        tpu.enqueue_dma source(%dma_start3A_120 : memref<32768xf32, #tpu.memory_space<hbm>>) target(%arg9 : memref<32768xf32, #tpu.memory_space<vmem>>) target_semaphore(%arg15 : memref<!tpu.dma_semaphore, #tpu.memory_space<semaphore_mem>>)
      } else {
      }
      %mul3A_76 = arith.constant 4 : i32
      %mul3A_77 = arith.muli %mul3A_76, %scan3A_42 : i32
      %add3A_78 = arith.addi %mul3A_2, %mul3A_77 : i32
      %add3A_79 = arith.constant 2 : i32
      %add3A_80 = arith.addi %add3A_78, %add3A_79 : i32
      %mul3A_81 = arith.constant 16384 : i32
      %mul3A_82 = arith.muli %add3A_80, %mul3A_81 : i32
      %dma_wait3A_83 = tpu.memref_slice %arg2[%mul3A_82] : memref<67108864xf32, #tpu.memory_space<hbm>> -> memref<32768xf32, #tpu.memory_space<hbm>>
      %dma_wait3A_84 = tpu.memref_slice %arg2[%mul3A_82] : memref<67108864xf32, #tpu.memory_space<hbm>> -> memref<32768xf32, #tpu.memory_space<hbm>>
      tpu.wait_dma2 semaphore(%arg16 : memref<!tpu.dma_semaphore, #tpu.memory_space<semaphore_mem>>) src(%dma_wait3A_84 : memref<32768xf32, #tpu.memory_space<hbm>>) dst(%arg10 : memref<32768xf32, #tpu.memory_space<vmem>>)
      %gt3A_85 = arith.constant 0 : i32
      %gt3A_86 = arith.cmpi sgt, %scan3A_42, %gt3A_85 : i32
      %convert_element_type3A_87 = arith.extui %gt3A_86 : i1 to i32
      %cond3A_88 = arith.constant 0 : i32
      %cond3A_89 = arith.cmpi ne, %convert_element_type3A_87, %cond3A_88 : i32
      scf.if %cond3A_89 {
        %dma_wait3A_115 = arith.constant 0 : i32
        %dma_wait3A_116 = tpu.memref_slice %arg5[%add3A_80, %dma_wait3A_115] : memref<4096x8128xf32, #tpu.memory_space<hbm>> -> memref<1x8128xf32, #tpu.memory_space<hbm>>
        %dma_wait3A_117 = tpu.memref_squeeze %dma_wait3A_116 : memref<1x8128xf32, #tpu.memory_space<hbm>> -> memref<8128xf32, #tpu.memory_space<hbm>>
        %dma_wait3A_118 = arith.constant 0 : i32
        %dma_wait3A_119 = tpu.memref_slice %arg5[%add3A_80, %dma_wait3A_118] : memref<4096x8128xf32, #tpu.memory_space<hbm>> -> memref<1x8128xf32, #tpu.memory_space<hbm>>
        %dma_wait3A_120 = tpu.memref_squeeze %dma_wait3A_119 : memref<1x8128xf32, #tpu.memory_space<hbm>> -> memref<8128xf32, #tpu.memory_space<hbm>>
        tpu.wait_dma2 semaphore(%arg18 : memref<!tpu.dma_semaphore, #tpu.memory_space<semaphore_mem>>) src(%arg13 : memref<8128xf32, #tpu.memory_space<vmem>>) dst(%dma_wait3A_120 : memref<8128xf32, #tpu.memory_space<hbm>>)
        %dma_wait3A_121 = arith.constant 0 : i32
        %dma_wait3A_122 = tpu.memref_slice %arg5[%add3A_80, %dma_wait3A_121] : memref<4096x8128xf32, #tpu.memory_space<hbm>> -> memref<1x8128xf32, #tpu.memory_space<hbm>>
        %dma_wait3A_123 = tpu.memref_squeeze %dma_wait3A_122 : memref<1x8128xf32, #tpu.memory_space<hbm>> -> memref<8128xf32, #tpu.memory_space<hbm>>
        %dma_wait3A_124 = arith.constant 0 : i32
        %dma_wait3A_125 = tpu.memref_slice %arg5[%add3A_80, %dma_wait3A_124] : memref<4096x8128xf32, #tpu.memory_space<hbm>> -> memref<1x8128xf32, #tpu.memory_space<hbm>>
        %dma_wait3A_126 = tpu.memref_squeeze %dma_wait3A_125 : memref<1x8128xf32, #tpu.memory_space<hbm>> -> memref<8128xf32, #tpu.memory_space<hbm>>
        tpu.wait_dma2 semaphore(%arg18 : memref<!tpu.dma_semaphore, #tpu.memory_space<semaphore_mem>>) src(%arg14 : memref<8128xf32, #tpu.memory_space<vmem>>) dst(%dma_wait3A_126 : memref<8128xf32, #tpu.memory_space<hbm>>)
      } else {
      }
      %parallel_loop3A_90 = arith.constant 0 : i32
      %parallel_loop3A_91 = arith.constant 508 : i32
      %parallel_loop3A_92 = arith.constant 1 : i32
      scf.for %parallel_loop3A_115 = %parallel_loop3A_90 to %parallel_loop3A_91 step %parallel_loop3A_92  : i32 {
        %parallel_loop3A_116 = arith.constant 16 : i32
        %parallel_loop3A_117 = arith.muli %parallel_loop3A_115, %parallel_loop3A_116 : i32
        %parallel_loop3A_118 = arith.index_cast %parallel_loop3A_117 : i32 to index
        %parallel_loop3A_119 = tpu.vector_load %arg6[%parallel_loop3A_118] {strides = array<i32>} : memref<8128xi32, #tpu.memory_space<vmem>>, vector<16xi32>,
        %parallel_loop3A_120 = tpu.vector_load_idx %arg10[%parallel_loop3A_119] : memref<32768xf32, #tpu.memory_space<vmem>>[vector<16xi32>], vector<16xf32>,
        %parallel_loop3A_121 = arith.index_cast %parallel_loop3A_117 : i32 to index
        %parallel_loop3A_122 = tpu.vector_load %arg13[%parallel_loop3A_121] {strides = array<i32>} : memref<8128xf32, #tpu.memory_space<vmem>>, vector<16xf32>,
        tpu.vector_store %arg13[%parallel_loop3A_121], %parallel_loop3A_120 {strides = array<i32>} : memref<8128xf32, #tpu.memory_space<vmem>>, vector<16xf32>,
        %parallel_loop3A_123 = arith.constant 16384 : i32
        %parallel_loop3A_124 = vector.broadcast %parallel_loop3A_123 : i32 to vector<16xi32>
        %parallel_loop3A_125 = arith.addi %parallel_loop3A_119, %parallel_loop3A_124 : vector<16xi32>
        %parallel_loop3A_126 = tpu.vector_load_idx %arg10[%parallel_loop3A_125] : memref<32768xf32, #tpu.memory_space<vmem>>[vector<16xi32>], vector<16xf32>,
        %parallel_loop3A_127 = arith.index_cast %parallel_loop3A_117 : i32 to index
        %parallel_loop3A_128 = tpu.vector_load %arg14[%parallel_loop3A_127] {strides = array<i32>} : memref<8128xf32, #tpu.memory_space<vmem>>, vector<16xf32>,
        tpu.vector_store %arg14[%parallel_loop3A_127], %parallel_loop3A_126 {strides = array<i32>} : memref<8128xf32, #tpu.memory_space<vmem>>, vector<16xf32>,
      } {sc.loop_unroll_factor = 4 : i64, sc.parallel_access}
      %dma_start3A_93 = arith.constant 0 : i32
      %dma_start3A_94 = tpu.memref_slice %arg5[%add3A_80, %dma_start3A_93] : memref<4096x8128xf32, #tpu.memory_space<hbm>> -> memref<1x8128xf32, #tpu.memory_space<hbm>>
      %dma_start3A_95 = tpu.memref_squeeze %dma_start3A_94 : memref<1x8128xf32, #tpu.memory_space<hbm>> -> memref<8128xf32, #tpu.memory_space<hbm>>
      %dma_start3A_96 = arith.constant 0 : i32
      %dma_start3A_97 = tpu.memref_slice %arg5[%add3A_80, %dma_start3A_96] : memref<4096x8128xf32, #tpu.memory_space<hbm>> -> memref<1x8128xf32, #tpu.memory_space<hbm>>
      %dma_start3A_98 = tpu.memref_squeeze %dma_start3A_97 : memref<1x8128xf32, #tpu.memory_space<hbm>> -> memref<8128xf32, #tpu.memory_space<hbm>>
      tpu.enqueue_dma source(%arg13 : memref<8128xf32, #tpu.memory_space<vmem>>) target(%dma_start3A_98 : memref<8128xf32, #tpu.memory_space<hbm>>) target_semaphore(%arg18 : memref<!tpu.dma_semaphore, #tpu.memory_space<semaphore_mem>>)
      %add3A_99 = arith.constant 1 : i32
      %add3A_100 = arith.addi %add3A_80, %add3A_99 : i32
      %dma_start3A_101 = arith.constant 0 : i32
      %dma_start3A_102 = tpu.memref_slice %arg5[%add3A_100, %dma_start3A_101] : memref<4096x8128xf32, #tpu.memory_space<hbm>> -> memref<1x8128xf32, #tpu.memory_space<hbm>>
      %dma_start3A_103 = tpu.memref_squeeze %dma_start3A_102 : memref<1x8128xf32, #tpu.memory_space<hbm>> -> memref<8128xf32, #tpu.memory_space<hbm>>
      %dma_start3A_104 = arith.constant 0 : i32
      %dma_start3A_105 = tpu.memref_slice %arg5[%add3A_100, %dma_start3A_104] : memref<4096x8128xf32, #tpu.memory_space<hbm>> -> memref<1x8128xf32, #tpu.memory_space<hbm>>
      %dma_start3A_106 = tpu.memref_squeeze %dma_start3A_105 : memref<1x8128xf32, #tpu.memory_space<hbm>> -> memref<8128xf32, #tpu.memory_space<hbm>>
      tpu.enqueue_dma source(%arg14 : memref<8128xf32, #tpu.memory_space<vmem>>) target(%dma_start3A_106 : memref<8128xf32, #tpu.memory_space<hbm>>) target_semaphore(%arg18 : memref<!tpu.dma_semaphore, #tpu.memory_space<semaphore_mem>>)
      %add3A_107 = arith.constant 4 : i32
      %add3A_108 = arith.addi %add3A_80, %add3A_107 : i32
      %add3A_109 = arith.constant 128 : i32
      %add3A_110 = arith.addi %mul3A_2, %add3A_109 : i32
      %lt3A_111 = arith.cmpi slt, %add3A_108, %add3A_110 : i32
      %convert_element_type3A_112 = arith.extui %lt3A_111 : i1 to i32
      %cond3A_113 = arith.constant 0 : i32
      %cond3A_114 = arith.cmpi ne, %convert_element_type3A_112, %cond3A_113 : i32
      scf.if %cond3A_114 {
        %add3A_115 = arith.constant 4 : i32
        %add3A_116 = arith.addi %add3A_80, %add3A_115 : i32
        %mul3A_117 = arith.constant 16384 : i32
        %mul3A_118 = arith.muli %add3A_116, %mul3A_117 : i32
        %dma_start3A_119 = tpu.memref_slice %arg2[%mul3A_118] : memref<67108864xf32, #tpu.memory_space<hbm>> -> memref<32768xf32, #tpu.memory_space<hbm>>
        %dma_start3A_120 = tpu.memref_slice %arg2[%mul3A_118] : memref<67108864xf32, #tpu.memory_space<hbm>> -> memref<32768xf32, #tpu.memory_space<hbm>>
        tpu.enqueue_dma source(%dma_start3A_120 : memref<32768xf32, #tpu.memory_space<hbm>>) target(%arg10 : memref<32768xf32, #tpu.memory_space<vmem>>) target_semaphore(%arg16 : memref<!tpu.dma_semaphore, #tpu.memory_space<semaphore_mem>>)
      } else {
      }
    }
    %scan3A_18 = arith.constant 32 : i32
    %dma_wait3A = arith.constant 0 : i32
    %dma_wait3A_19 = tpu.memref_slice %arg5[%mul3A_2, %dma_wait3A] : memref<4096x8128xf32, #tpu.memory_space<hbm>> -> memref<1x8128xf32, #tpu.memory_space<hbm>>
    %dma_wait3A_20 = tpu.memref_squeeze %dma_wait3A_19 : memref<1x8128xf32, #tpu.memory_space<hbm>> -> memref<8128xf32, #tpu.memory_space<hbm>>
    %dma_wait3A_21 = arith.constant 0 : i32
    %dma_wait3A_22 = tpu.memref_slice %arg5[%mul3A_2, %dma_wait3A_21] : memref<4096x8128xf32, #tpu.memory_space<hbm>> -> memref<1x8128xf32, #tpu.memory_space<hbm>>
    %dma_wait3A_23 = tpu.memref_squeeze %dma_wait3A_22 : memref<1x8128xf32, #tpu.memory_space<hbm>> -> memref<8128xf32, #tpu.memory_space<hbm>>
    tpu.wait_dma2 semaphore(%arg17 : memref<!tpu.dma_semaphore, #tpu.memory_space<semaphore_mem>>) src(%arg11 : memref<8128xf32, #tpu.memory_space<vmem>>) dst(%dma_wait3A_23 : memref<8128xf32, #tpu.memory_space<hbm>>)
    %dma_wait3A_24 = arith.constant 0 : i32
    %dma_wait3A_25 = tpu.memref_slice %arg5[%mul3A_2, %dma_wait3A_24] : memref<4096x8128xf32, #tpu.memory_space<hbm>> -> memref<1x8128xf32, #tpu.memory_space<hbm>>
    %dma_wait3A_26 = tpu.memref_squeeze %dma_wait3A_25 : memref<1x8128xf32, #tpu.memory_space<hbm>> -> memref<8128xf32, #tpu.memory_space<hbm>>
    %dma_wait3A_27 = arith.constant 0 : i32
    %dma_wait3A_28 = tpu.memref_slice %arg5[%mul3A_2, %dma_wait3A_27] : memref<4096x8128xf32, #tpu.memory_space<hbm>> -> memref<1x8128xf32, #tpu.memory_space<hbm>>
    %dma_wait3A_29 = tpu.memref_squeeze %dma_wait3A_28 : memref<1x8128xf32, #tpu.memory_space<hbm>> -> memref<8128xf32, #tpu.memory_space<hbm>>
    tpu.wait_dma2 semaphore(%arg17 : memref<!tpu.dma_semaphore, #tpu.memory_space<semaphore_mem>>) src(%arg12 : memref<8128xf32, #tpu.memory_space<vmem>>) dst(%dma_wait3A_29 : memref<8128xf32, #tpu.memory_space<hbm>>)
    %dma_wait3A_30 = arith.constant 0 : i32
    %dma_wait3A_31 = tpu.memref_slice %arg5[%mul3A_2, %dma_wait3A_30] : memref<4096x8128xf32, #tpu.memory_space<hbm>> -> memref<1x8128xf32, #tpu.memory_space<hbm>>
    %dma_wait3A_32 = tpu.memref_squeeze %dma_wait3A_31 : memref<1x8128xf32, #tpu.memory_space<hbm>> -> memref<8128xf32, #tpu.memory_space<hbm>>
    %dma_wait3A_33 = arith.constant 0 : i32
    %dma_wait3A_34 = tpu.memref_slice %arg5[%mul3A_2, %dma_wait3A_33] : memref<4096x8128xf32, #tpu.memory_space<hbm>> -> memref<1x8128xf32, #tpu.memory_space<hbm>>
    %dma_wait3A_35 = tpu.memref_squeeze %dma_wait3A_34 : memref<1x8128xf32, #tpu.memory_space<hbm>> -> memref<8128xf32, #tpu.memory_space<hbm>>
    tpu.wait_dma2 semaphore(%arg18 : memref<!tpu.dma_semaphore, #tpu.memory_space<semaphore_mem>>) src(%arg13 : memref<8128xf32, #tpu.memory_space<vmem>>) dst(%dma_wait3A_35 : memref<8128xf32, #tpu.memory_space<hbm>>)
    %dma_wait3A_36 = arith.constant 0 : i32
    %dma_wait3A_37 = tpu.memref_slice %arg5[%mul3A_2, %dma_wait3A_36] : memref<4096x8128xf32, #tpu.memory_space<hbm>> -> memref<1x8128xf32, #tpu.memory_space<hbm>>
    %dma_wait3A_38 = tpu.memref_squeeze %dma_wait3A_37 : memref<1x8128xf32, #tpu.memory_space<hbm>> -> memref<8128xf32, #tpu.memory_space<hbm>>
    %dma_wait3A_39 = arith.constant 0 : i32
    %dma_wait3A_40 = tpu.memref_slice %arg5[%mul3A_2, %dma_wait3A_39] : memref<4096x8128xf32, #tpu.memory_space<hbm>> -> memref<1x8128xf32, #tpu.memory_space<hbm>>
    %dma_wait3A_41 = tpu.memref_squeeze %dma_wait3A_40 : memref<1x8128xf32, #tpu.memory_space<hbm>> -> memref<8128xf32, #tpu.memory_space<hbm>>
    tpu.wait_dma2 semaphore(%arg18 : memref<!tpu.dma_semaphore, #tpu.memory_space<semaphore_mem>>) src(%arg14 : memref<8128xf32, #tpu.memory_space<vmem>>) dst(%dma_wait3A_41 : memref<8128xf32, #tpu.memory_space<hbm>>)
    return
  }
}

</mosaic_0001>

<sc_bundles>
// kernel: kernel.3.cloned.1.call-start
scs
__scs_entry_jumppad:
0x0: {  	(pc) =	sbr.rel $0x88, $3  }
0x1: {  	(tag) =	ssettag $0x0;
	lr =	simm.s32 $0x1  }
0x2: {  	[smem:$0x3F9E] =	sst lr;
	_ =	strace $0xD0000000  }
0x3: {  	_ = 	snop  }
0x4: {  	_ = 	snop  }
0x5: {  	_ = 	snop  }
0x6: {  	_ = 	snop  }
0x7: {  	_ = 	snop  }
__scs_overlays_trampoline_lowered:
0x8: {  	[smem:$0x3FAD] =	sst s0  }
0x9: {  	[smem:$0x3FAE] =	sst s1  }
0xa: {  	[smem:$0x3FAF] =	sst s2  }
0xb: {  	[smem:$0x3FB0] =	sst s3  }
0xc: {  	[smem:$0x3FB1] =	sst s4  }
0xd: {  	[smem:$0x3FB2] =	sst s5  }
0xe: {  	[smem:$0x3FB3] =	sst s6  }
0xf: {  	[smem:$0x3FB4] =	sst s7  }
0x10: {  	[smem:$0x3FB5] =	sst s8  }
0x11: {  	[smem:$0x3FB6] =	sst s9;
	s0 =	simm.s32 @!p0 $0x0  }
0x12: {  	s1 =	sld [smem:$0x3F9C];
	s0 =	simm.s32 @p0 $0x1  }
0x13: {  	[smem:$0x3FB7] =	sst s0;
	s0 =	simm.s32 @!p1 $0x0  }
0x14: {  	s2 =	sld [smem:$0x3F9B];
	s0 =	simm.s32 @p1 $0x1  }
0x15: {  	[smem:$0x3FB8] =	sst s0;
	s0 =	simm.s32 @!p2 $0x0  }
0x16: {  	s3 =	sld [smem:$0x3FDB];
	s0 =	simm.s32 @p2 $0x1  }
0x17: {  	s4 =	simm.s32 $0x1BF5;
	[smem:$0x3FBA] =	sst s0  }
0x18: {  	s0 =	sld [smem:$0x3F9D];
	_ =	swait.ge [sflag:s4], $0x0  }
0x19: {  	s7 =	sld [smem:$0x3F9E]  }
0x1a: {  	s8 =	sadd.s32 $0xFFFFE003, lr  }
0x1b: {  	s9 =	sadd.s32 $0xFFFFFEF7, lr;
	s5 =	simm.s32 $0xFFFFFFFF;
	p2 =	slt.u32 s8, $0xFFFFF086  }
0x1c: {  	p1 =	slt.u32 s9, $0xF7A;
	s5 =	simm.s32 @!p2 $0x0  }
0x1d: {  	s5 =	simm.s32 @p1 $0x1;
	p0 =	seq.s32 s7, s2  }
0x1e: {  	s7 =	smul.u32 @!p0 $0xF7A, s2;
	p2 =	seq.s32 @!p0 s5, $0x0  }
0x1f: {  	s9 =	smul.u32 $0xF7A, s1;
	s8 =	simm.s32 @!p0 $0x1BF5;
	p2 =	por !p2, p0  }
0x20: {  	[sflag:s8] =	ssyncset.s32 @!p0 $0xFFFFF086;
	s6 =	sadd.s32 @!p0 s3, s7;
	s7 =	simm.s32 @!p0 $0x108  }
0x21: {  	s3 =	sadd.s32 s3, s9;
	s6 =	sadd.s32 @!p0 $0x88, s6;
	s7 =	simm.s32 @p2 $0x1082  }
0x22: {  	[simem:s7], [sflag:s8] =	dma.local @!p0 [hbm:s6], $0xF7A  }
0x23: {  	s9 =	sor.u32 $0xD0000000, s2;
	s6 =	simm.s32 $0x108;
	_ =	swait.ge @!p0 [sflag:s8], $0x0  }
0x24: {  	s3 =	sadd.s32 $0x88, s3;
	s6 =	simm.s32 @!p1 $0x1082;
	[sflag:s4] =	ssyncset.s32 $0xFFFFF086  }
0x25: {  	[simem:s6], [sflag:s4] =	dma.local [hbm:s3], $0xF7A  }
0x26: {  	[smem:$0x3F9E] =	sst s1;
	(tag) =	ssettag s2;
	_ =	strace s9  }
0x27: {  	s1 =	sld [smem:$0x3FAE]  }
0x28: {  	s2 =	sld [smem:$0x3FAF]  }
0x29: {  	s4 =	sld [smem:$0x3FB1]  }
0x2a: {  	p0 =	seq.s32 s5, $0x0;
	s5 =	sld [smem:$0x3FB2]  }
0x2b: {  	s6 =	sld [smem:$0x3FB3]  }
0x2c: {  	s7 =	sld [smem:$0x3FB4]  }
0x2d: {  	s3 =	simm.s32 $0x108;
	s8 =	sld [smem:$0x3FB5]  }
0x2e: {  	s3 =	simm.s32 @!p0 $0x1082;
	s9 =	sld [smem:$0x3FB6]  }
0x2f: {  	lr =	sadd.s32 s0, s3;
	s0 =	sld [smem:$0x3FAD]  }
0x30: {  	s3 =	sld [smem:$0x3FB0]  }
0x31: {  	[smem:$0x3FB9] =	sst s10  }
0x32: {  	s10 =	sld [smem:$0x3FB7];
	_ =	sdelay $0x3  }
0x33: {  	p0 =	seq.s32 s10, $0x1;
	s10 =	sld [smem:$0x3FB9];
	_ =	sdelay $0x3  }
0x34: {  	[smem:$0x3FB9] =	sst s10  }
0x35: {  	s10 =	sld [smem:$0x3FB8];
	_ =	sdelay $0x3  }
0x36: {  	p1 =	seq.s32 s10, $0x1;
	s10 =	sld [smem:$0x3FB9];
	_ =	sdelay $0x3  }
0x37: {  	[smem:$0x3FB9] =	sst s10  }
0x38: {  	s10 =	sld [smem:$0x3FBA]  }
0x39: {  	_ = 	snop;
	(pc) =	sbr.ind lr, $3  }
0x3a: {  	_ = 	snop  }
0x3b: {  	_ = 	snop  }
0x3c: {  	p2 =	seq.s32 s10, $0x1;
	s10 =	sld [smem:$0x3FB9]  }
0x3d: {  	_ =	shalt  }
0x3e: {  	_ =	shalt  }
0x3f: {  	_ =	shalt  }
0x40: {  	_ =	shalt  }
0x41: {  	_ =	shalt  }
0x42: {  	_ =	shalt  }
0x43: {  	_ =	shalt  }
0x44: {  	_ =	shalt  }
0x45: {  	_ =	shalt  }
0x46: {  	_ =	shalt  }
0x47: {  	_ =	shalt  }
0x48: {  	_ =	shalt  }
0x49: {  	_ =	shalt  }
0x4a: {  	_ =	shalt  }
0x4b: {  	_ =	shalt  }
0x4c: {  	_ =	shalt  }
0x4d: {  	_ =	shalt  }
0x4e: {  	_ =	shalt  }
0x4f: {  	_ =	shalt  }
0x50: {  	_ =	shalt  }
0x51: {  	_ =	shalt  }
0x52: {  	_ =	shalt  }
0x53: {  	_ =	shalt  }
0x54: {  	_ =	shalt  }
0x55: {  	_ =	shalt  }
0x56: {  	_ =	shalt  }
0x57: {  	_ =	shalt  }
0x58: {  	_ =	shalt  }
0x59: {  	_ =	shalt  }
0x5a: {  	_ =	shalt  }
0x5b: {  	_ =	shalt  }
0x5c: {  	_ =	shalt  }
0x5d: {  	_ =	shalt  }
0x5e: {  	_ =	shalt  }
0x5f: {  	_ =	shalt  }
0x60: {  	_ =	shalt  }
0x61: {  	_ =	shalt  }
0x62: {  	_ =	shalt  }
0x63: {  	_ =	shalt  }
0x64: {  	_ =	shalt  }
0x65: {  	_ =	shalt  }
0x66: {  	_ =	shalt  }
0x67: {  	_ =	shalt  }
0x68: {  	_ =	shalt  }
0x69: {  	_ =	shalt  }
0x6a: {  	_ =	shalt  }
0x6b: {  	_ =	shalt  }
0x6c: {  	_ =	shalt  }
0x6d: {  	_ =	shalt  }
0x6e: {  	_ =	shalt  }
0x6f: {  	_ =	shalt  }
0x70: {  	_ =	shalt  }
0x71: {  	_ =	shalt  }
0x72: {  	_ =	shalt  }
0x73: {  	_ =	shalt  }
0x74: {  	_ =	shalt  }
0x75: {  	_ =	shalt  }
0x76: {  	_ =	shalt  }
0x77: {  	_ =	shalt  }
0x78: {  	_ =	shalt  }
0x79: {  	_ =	shalt  }
0x7a: {  	_ =	shalt  }
0x7b: {  	_ =	shalt  }
0x7c: {  	_ =	shalt  }
0x7d: {  	_ =	shalt  }
0x7e: {  	_ =	shalt  }
0x7f: {  	_ =	shalt  }
0x80: {  	_ =	shalt  }
0x81: {  	_ =	shalt  }
0x82: {  	_ =	shalt  }
0x83: {  	_ =	shalt  }
0x84: {  	_ =	shalt  }
0x85: {  	_ =	shalt  }
0x86: {  	_ =	shalt  }
0x87: {  	_ =	shalt  }
.Lfunc_end0:
.L_simem_size_0:
called_computation_lowered:
.L_overlay_start_0:
0x88: {  	s2 =	sld [smem:$0x3FD9]  }
0x89: {  	s3 =	sld [smem:$0x3FFE];
	_ =	sdelay $0x1  }
0x8a: {  	s1 =	srdreg.scid  }
0x8b: {  	s0 =	sand.u32 $0x1, s1  }
0x8c: {  	s17 =	sshll.u32 s0, $0xA;
	s2 =	sadd.s32 s3, s2  }
0x8d: {  	s2 =	sadd.s32 s2, s17  }
0x8e: {  	[smem:$0x3FC5] =	sst s2  }
0x8f: {  	_ = 	snop  }
0x90: {  	s2 =	sld [smem:$0x3FC9]  }
0x91: {  	s18 =	sld [smem:$0x3FC8]  }
0x92: {  	s4 =	sld [smem:$0x3FC7];
	(tm) =	ssettm $0x1  }
0x93: {  	s5 =	sld [smem:$0x3FFB];
	_ =	sdelay $0x3  }
0x94: {  	_ =	strace s5  }
0x95: {  	s5 =	sld [smem:$0x3FFC];
	_ =	sdelay $0x3  }
0x96: {  	_ =	strace s5  }
0x97: {  	s5 =	sld [smem:$0x3FFD];
	_ =	sdelay $0x3  }
0x98: {  	_ =	strace s5  }
0x99: {  	_ =	strace $0x8FFFFFFF  }
0x9a: {  	s19 =	sld [smem:$0x3FDB];
	_ =	sdelay $0x1  }
0x9b: {  	s6 =	simm.s32 $_scs_section_size  }
0x9c: {  	s7 =	simm.s32 $_size__tile_overlayer_lowered;
	s8 =	simm.s32 $_tile_overlayer_lowered  }
0x9d: {  	s22 =	simm.s32 $0x1BFF;
	s21 =	sshll.u32 s8, $0x1;
	s5 =	sadd.s32 s6, s19  }
0x9e: {  	s9 =	simm.s32 $0x0;
	s20 =	sshll.u32 s7, $0x1;
	s7 =	sadd.s32 s21, s5  }
0x9f: {  	[timem:s9], [sflag:s22] =	dma.local [hbm:s7], s20  }
0xa0: {  	_ =	swait.ge [sflag:s22], s20  }
0xa1: {  	s6 =	ssub.s32 $0x0, s20;
	[sflag:s22] =	ssyncset.done $0x0  }
0xa2: {  	[sflag:s22] =	ssyncadd.s32 s6;
	_ =	sdelay $0x1  }
0xa3: {  	s23 =	simm.s32 $0x1B8B  }
0xa4: {  	_ =	swait.ge [sflag:s23], $0x1  }
0xa5: {  	[sflag:s23] =	ssyncset.done $0x0  }
0xa6: {  	s25 =	simm.s32 $0x1B8E;
	s24 =	sld [smem:$0x3FFE];
	[sflag:s23] =	ssyncadd.s32 $0xFFFFFFFF  }
0xa7: {  	s26 =	simm.s32 $execute0_lowered;
	[smem:$0x3FD2] =	sst s25  }
0xa8: {  	s7 =	sshll.u32 s26, $0x1;
	_ =	strace $0x80000046;
	[dreg:$0x1] =	wrdreg $0xFFFFFFFF  }
0xa9: {  	s28 =	simm.s32 $_size_execute0_lowered;
	s5 =	sadd.s32 s5, s7;
	[dreg:$0x0] =	wrdreg $0x0  }
0xaa: {  	s7 =	sshll.u32 s28, $0x1;
	[dreg:$0x2] =	wrdreg s5  }
0xab: {  	[dreg:$0x3] =	wrdreg s7  }
0xac: {  	[dreg:$0x4] =	wrdreg $0xC0  }
0xad: {  	_ =	task [dreg:s9], $0x5FFFF  }
0xae: {  	[dreg:$0x1] =	wrdreg $0xFFFFFFFF  }
0xaf: {  	[dreg:$0x0] =	wrdreg $0x60  }
0xb0: {  	[dreg:$0x2] =	wrdreg s2  }
0xb1: {  	[dreg:$0x3] =	wrdreg s18  }
0xb2: {  	[dreg:$0x4] =	wrdreg s4  }
0xb3: {  	[dreg:$0x5] =	wrdreg s24  }
0xb4: {  	[dreg:$0x6] =	wrdreg $0x9  }
0xb5: {  	_ =	task.clear_ibuf [dreg:s9], $0x7FFFF;
	_ =	strace $0x90000046  }
0xb6: {  	s29 =	simm.s32 $0x9;
	_ =	strace $0x80000048  }
0xb7: {  	_ =	swait.ge [sflag:s29], $0x1  }
0xb8: {  	[sflag:s29] =	ssyncadd.s32 $0xFFFFFFFF  }
0xb9: {  	_ =	strace $0x90000048  }
0xba: {  	_ =	sfence  }
0xbb: {  	s30 =	sld [smem:$0x0];
	_ =	sdelay $0x2  }
0xbc: {  	s31 =	sshll.u32 s1, $0xD;
	s1 =	sshrl.u32 s1, $0x2  }
0xbd: {  	s3 =	sand.u32 $0x4000, s31;
	s1 =	sadd.s32 s1, s30  }
0xbe: {  	s0 =	sor.u32 s3, s0;
	s1 =	sshll.u32 s1, $0x11  }
0xbf: {  	s0 =	sor.u32 s1, s0  }
0xc0: {  	s0 =	sadd.s32 $0x8F2B, s0  }
0xc1: {  	[sflag:s0] =	ssyncadd.remote.s32 $0x1  }
0xc2: {  	_ =	sfence.sel $0xFFFF  }
0xc3: {  	[dreg:$0x0] =	wrdreg $0xFFFFFFFF;
	(pc) =	sbr.abs _section_cstart, $3  }
0xc4: {  	[dreg:$0x1] =	wrdreg $0xFFFFFFFF  }
0xc5: {  	_ =	task.clear_ibuf [dreg:s9], $0x2FFFF;
	_ =	strace $0x9FFFFFFF  }
0xc6: {  	(tm) =	ssettm $0x7FFFFFFF  }
0xc7: {  	_ =	shalt  }
tec
execute0_lowered:
.L_overlay_start_1:
0x0: {  	(tag) =	ssettag $0x1  }
0x1: {  	s1 =	rddreg [dreg:$0x0]  }
0x2: {  	s0 =	rddreg [dreg:$0x3]  }
0x3: {  	s2 =	srdreg.scid;
	s3 =	stileid.u32  }
0x4: {  	s5 =	simm.s32 $0x0;
	s13 =	simm.s32 $0x5;
	s15 =	simm.s32 $0x6000  }
0x5: {  	s16 =	simm.s32 $0xE000;
	s17 =	simm.s32 $0x1;
	s18 =	simm.s32 $0x80  }
0x6: {  	s19 =	simm.s32 $0x400;
	s20 =	simm.s32 $0x16000;
	s21 =	simm.s32 $0x18000  }
0x7: {  	s22 =	simm.s32 $0x2;
	s23 =	simm.s32 $0x1A000;
	s24 =	simm.s32 $0x1C000  }
0x8: {  	s25 =	simm.s32 $0x3;
	s26 =	simm.s32 $0x4;
	s28 =	simm.s32 $0x0  }
0x9: {  	s2 =	sand.u32 $0x1, s2;
	s3 =	sshll.u32 s3, $0x1;
	[smem:$0x7FF] =	sst s5  }
0xa: {  	s6 =	sadd.s32 $0x400, s0;
	s3 =	sor.u32 s2, s3;
	s2 =	ssub.s32 $0x2, s2  }
0xb: {  	_ =	strace $0x80000047;
	s4 =	sshll.u32 s3, $0x12;
	s31 =	sshrl.u32 s2, $0x1  }
0xc: {  	s8 =	sshll.u32 s3, $0x7;
	s7 =	sadd.s32 s1, s4;
	s0 =	ssub.s32 s2, s31  }
0xd: {  	s10 =	sadd.s32 $0x80, s8;
	s9 =	sadd.s32 $0x1000, s7;
	s11 =	smax.u32 s0, $0x1  }
.LBB2_1:
0xe: {  	s0 =	rddreg [dreg:$0x1];
	s2 =	simm.s32 $0x2000  }
0xf: {  	[tilespmem:s2], [sflag:$0x5] =	stream.linear.gather [hbm4b:s0+s5], $0x2000, $0x38;
	[tilespmem:$0x1E000] =	vst v63  }
0x10: {  	_ =	swait.ge [sflag:s13], $0x2000  }
0x11: {  	[sflag:s13] =	ssyncset.done $0x0  }
0x12: {  	[sflag:s13] =	ssyncadd.s32 $0xFFFFE000  }
0x13: {  	s30 =	simm.s32 $0x4000;
	s29 =	rddreg [dreg:$0x2]  }
0x14: {  	[tilespmem:s30], [sflag:$0x5] =	stream.linear.gather [hbm4b:s29+s5], $0x2000, $0x38;
	[tilespmem:$0x1E000] =	vst v63  }
0x15: {  	_ =	swait.ge [sflag:s13], $0x2000  }
0x16: {  	[sflag:s13] =	ssyncset.done $0x0  }
0x17: {  	s31 =	simm.s32 $0x2020;
	[sflag:s13] =	ssyncadd.s32 $0xFFFFE000  }
0x18: {  	s2 =	simm.s32 $0x4020;
	v3 =	vld [tilespmem:s31+$0x10]  }
0x19: {  	v4 =	vld [tilespmem:s2+$0x10]  }
0x1a: {  	v5 =	vld [tilespmem:s31+$0xFFFFFFF0]  }
0x1b: {  	v0 =	vld [tilespmem:s31+$0x0]  }
0x1c: {  	v1 =	vld [tilespmem:s31+$0xFFFFFFE0]  }
0x1d: {  	v2 =	vld [tilespmem:s2+$0xFFFFFFE0];
	v6 =	vshll.u32 v3, $0x7  }
0x1e: {  	s0 =	simm.s32 $0x20;
	v3 =	vld [tilespmem:s2+$0xFFFFFFF0];
	v6 =	vadd.s32 v4, v6  }
0x1f: {  	s3 =	simm.s32 $0x0;
	s4 =	simm.s32 $0x2060;
	v5 =	vshll.u32 v5, $0x7;
	v4 =	vld [tilespmem:s2+$0x0];
	[tilespmem:s0+$0x10] =	vst v6  }
.LBB2_2:
0x20: {  	v6 =	vld [tilespmem:s4+$0x10];
	s3 =	sadd.s32 $0x4, s3;
	v7 =	vshll.u32 v0, $0x7;
	s2 =	sadd.s32 $0x40, s2  }
0x21: {  	v8 =	vld [tilespmem:s2+$0x10];
	p0 =	slt.u32 s3, $0x1F8;
	v0 =	vshll.u32 v1, $0x7  }
0x22: {  	v9 =	vld [tilespmem:s4+$0xFFFFFFF0];
	v1 =	vadd.s32 v2, v0  }
.Ltmp0:
0x23: {  	v0 =	vld [tilespmem:s4+$0x0];
	[tilespmem:s0+$0xFFFFFFE0] =	vst v1;
	v2 =	vadd.s32 v3, v5;
	(pc) =	sbr.rel @p0 .LBB2_2-.Ltmp0, $4  }
0x24: {  	v1 =	vld [tilespmem:s4+$0xFFFFFFE0];
	[tilespmem:s0+$0xFFFFFFF0] =	vst v2;
	v3 =	vadd.s32 v4, v7  }
0x25: {  	v2 =	vld [tilespmem:s2+$0xFFFFFFE0];
	v4 =	vshll.u32 v6, $0x7;
	[tilespmem:s0+$0x0] =	vst v3  }
0x26: {  	s0 =	sadd.s32 $0x40, s0;
	v3 =	vld [tilespmem:s2+$0xFFFFFFF0];
	v6 =	vadd.s32 v8, v4  }
0x27: {  	s4 =	sadd.s32 $0x40, s4;
	v5 =	vshll.u32 v9, $0x7;
	v4 =	vld [tilespmem:s2+$0x0];
	[tilespmem:s0+$0x10] =	vst v6  }
0x28: {  	_ = 	snop  }
0x29: {  	v1 =	vshll.u32 v1, $0x7  }
0x2a: {  	v1 =	vadd.s32 v2, v1  }
0x2b: {  	v0 =	vshll.u32 v0, $0x7;
	[tilespmem:s0+$0xFFFFFFE0] =	vst v1;
	v63 =	vadd.s32 v3, v5  }
0x2c: {  	[tilespmem:s0+$0xFFFFFFF0] =	vst v63;
	v0 =	vadd.s32 v4, v0  }
0x2d: {  	s29 =	simm.s32 $0x0;
	[tilespmem:s0+$0x0] =	vst v0  }
0x2e: {  	[tilespmem:s15], [sflag:$0x1] =	stream.linear.gather [hbm4b:s7+s29], $0x8000, $0x38;
	[tilespmem:$0x1E000] =	vst v63  }
0x2f: {  	_ = 	snop  }
0x30: {  	[tilespmem:s16], [sflag:$0x2] =	stream.linear.gather [hbm4b:s9+s29], $0x8000, $0x38;
	[tilespmem:$0x1E000] =	vst v63  }
.LBB2_4:
0x31: {  	_ =	swait.ge [sflag:s17], $0x8000  }
0x32: {  	p0 =	seq.s32 s29, $0x0;
	[sflag:s17] =	ssyncset.done $0x0  }
0x33: {  	s0 =	simm.s32 @!p0 $0x3;
	[sflag:s17] =	ssyncadd.s32 $0xFFFF8000  }
0x34: {  	_ =	swait.ge @!p0 [sflag:s0], $0x2000  }
0x35: {  	[sflag:s0] =	ssyncset.done @!p0 $0x0  }
0x36: {  	[sflag:s0] =	ssyncadd.s32 @!p0 $0xFFFFE000  }
0x37: {  	_ =	swait.ge @!p0 [sflag:s0], $0x2000  }
0x38: {  	[sflag:s0] =	ssyncset.done @!p0 $0x0  }
0x39: {  	s12 =	simm.s32 $0x20;
	[sflag:s0] =	ssyncadd.s32 @!p0 $0xFFFFE000  }
0x3a: {  	v0 =	vld [tilespmem:s12+$0x10]  }
0x3b: {  	v1 =	vld [tilespmem:s12+$0xFFFFFFF0]  }
0x3c: {  	v2 =	vld [tilespmem:s12+$0x0]  }
0x3d: {  	s14 =	simm.s32 $0x60;
	v3 =	vld [tilespmem:s12+$0xFFFFFFE0]  }
0x3e: {  	v6 =	vld [tilespmem:s14+$0x10]  }
0x3f: {  	v7 =	vld [tilespmem:s14+$0xFFFFFFF0]  }
0x40: {  	s4 =	simm.s32 $0xA0;
	v8 =	vld [tilespmem:s14+$0x0]  }
0x41: {  	v12 =	vld [tilespmem:s4+$0x10]  }
0x42: {  	v14 =	vld [tilespmem:s4+$0xFFFFFFF0]  }
0x43: {  	v4 =	vld.idx.msk [tilespmem:v0+s15+$0x0], $0xffff  }
0x44: {  	v5 =	vld.idx.msk [tilespmem:v1+s15+$0x0], $0xffff  }
0x45: {  	v9 =	vld.idx.msk [tilespmem:v2+s15+$0x0], $0xffff  }
0x46: {  	v10 =	vld.idx.msk [tilespmem:v6+s15+$0x0], $0xffff  }
0x47: {  	s3 =	simm.s32 $0x16020;
	v11 =	vld.idx.msk [tilespmem:v7+s15+$0x0], $0xffff  }
0x48: {  	[tilespmem:s3+$0x10] =	vst v4;
	v4 =	vld [tilespmem:s14+$0xFFFFFFE0]  }
0x49: {  	v0 =	vadd.s32 $0x4000, v0;
	[tilespmem:s3+$0xFFFFFFF0] =	vst v5;
	v5 =	vld.idx.msk [tilespmem:v3+s15+$0x0], $0xffff  }
0x4a: {  	s0 =	simm.s32 $0x16060;
	v1 =	vadd.s32 $0x4000, v1;
	[tilespmem:s3+$0x0] =	vst v9;
	v9 =	vld.idx.msk [tilespmem:v8+s15+$0x0], $0xffff  }
0x4b: {  	v2 =	vadd.s32 $0x4000, v2;
	[tilespmem:s0+$0x10] =	vst v10;
	v10 =	vld [tilespmem:s4+$0x0]  }
0x4c: {  	v13 =	vadd.s32 $0x4000, v3;
	v6 =	vadd.s32 $0x4000, v6;
	v3 =	vld [tilespmem:s4+$0xFFFFFFE0]  }
0x4d: {  	v18 =	vadd.s32 $0x4000, v8;
	v8 =	vld.idx.msk [tilespmem:v14+s15+$0x0], $0xffff  }
0x4e: {  	v0 =	vld.idx.msk [tilespmem:v0+s15+$0x0], $0xffff  }
0x4f: {  	v15 =	vadd.s32 $0x4000, v7;
	v1 =	vld.idx.msk [tilespmem:v1+s15+$0x0], $0xffff  }
0x50: {  	[tilespmem:s0+$0xFFFFFFF0] =	vst v11;
	v2 =	vld.idx.msk [tilespmem:v2+s15+$0x0], $0xffff  }
0x51: {  	v16 =	vld.idx.msk [tilespmem:v6+s15+$0x0], $0xffff;
	[tilespmem:s3+$0xFFFFFFE0] =	vst v5  }
0x52: {  	s2 =	simm.s32 $0x18020;
	[tilespmem:s0+$0x0] =	vst v9;
	v17 =	vld.idx.msk [tilespmem:v4+s15+$0x0], $0xffff  }
0x53: {  	[tilespmem:s2+$0x10] =	vst v0;
	v7 =	vld.idx.msk [tilespmem:v13+s15+$0x0], $0xffff  }
0x54: {  	v5 =	vld.idx.msk [tilespmem:v15+s15+$0x0], $0xffff;
	[tilespmem:s2+$0xFFFFFFF0] =	vst v1  }
0x55: {  	v6 =	vld.idx.msk [tilespmem:v12+s15+$0x0], $0xffff;
	s3 =	simm.s32 $0x18060;
	[tilespmem:s2+$0x0] =	vst v2  }
0x56: {  	s31 =	sshll.u32 s29, $0x2;
	v11 =	vadd.s32 $0x4000, v12;
	v1 =	vadd.s32 $0x4000, v4;
	[tilespmem:s3+$0x10] =	vst v16;
	v9 =	vld.idx.msk [tilespmem:v10+s15+$0x0], $0xffff  }
0x57: {  	s30 =	sadd.s32 s8, s31;
	s12 =	simm.s32 $0xE0;
	s4 =	simm.s32 $0x8;
	v0 =	vadd.s32 $0x4000, v14;
	v2 =	vadd.s32 $0x4000, v10;
	v4 =	vadd.s32 $0x4000, v3;
	v10 =	vld.idx.msk [tilespmem:v18+s15+$0x0], $0xffff;
	[tilespmem:s0+$0xFFFFFFE0] =	vst v17  }
.LBB2_5:
0x58: {  	v12 =	vld [tilespmem:s12+$0x10];
	s4 =	sadd.s32 $0x4, s4;
	[tilespmem:s2+$0xFFFFFFE0] =	vst v7;
	s2 =	smov.u32 s3  }
0x59: {  	s0 =	sadd.s32 $0x40, s0;
	v13 =	vld [tilespmem:s12+$0xFFFFFFF0];
	p1 =	slt.u32 s4, $0x1F8;
	[tilespmem:s3+$0xFFFFFFF0] =	vst v5  }
0x5a: {  	v14 =	vld [tilespmem:s12+$0x0];
	[tilespmem:s0+$0x10] =	vst v6  }
0x5b: {  	[tilespmem:s0+$0xFFFFFFF0] =	vst v8;
	v11 =	vld.idx.msk [tilespmem:v11+s15+$0x0], $0xffff  }
0x5c: {  	v15 =	vld [tilespmem:s12+$0xFFFFFFE0];
	[tilespmem:s0+$0x0] =	vst v9  }
0x5d: {  	v16 =	vld.idx.msk [tilespmem:v3+s15+$0x0], $0xffff;
	[tilespmem:s3+$0x0] =	vst v10  }
0x5e: {  	v3 =	vadd.s32 $0x4000, v13;
	v7 =	vld.idx.msk [tilespmem:v1+s15+$0x0], $0xffff;
	v1 =	vmov v4  }
.Ltmp1:
0x5f: {  	v17 =	vadd.s32 $0x4000, v14;
	v5 =	vld.idx.msk [tilespmem:v0+s15+$0x0], $0xffff;
	v0 =	vmov v3;
	(pc) =	sbr.rel @p1 .LBB2_5-.Ltmp1, $4  }
0x60: {  	s3 =	sadd.s32 $0x40, s3;
	v6 =	vld.idx.msk [tilespmem:v12+s15+$0x0], $0xffff  }
0x61: {  	v4 =	vadd.s32 $0x4000, v15;
	v8 =	vld.idx.msk [tilespmem:v13+s15+$0x0], $0xffff;
	[tilespmem:s3+$0x10] =	vst v11;
	v3 =	vmov v15  }
0x62: {  	v11 =	vadd.s32 $0x4000, v12;
	v9 =	vld.idx.msk [tilespmem:v14+s15+$0x0], $0xffff  }
0x63: {  	s12 =	sadd.s32 $0x40, s12;
	[tilespmem:s0+$0xFFFFFFE0] =	vst v16;
	v10 =	vld.idx.msk [tilespmem:v2+s15+$0x0], $0xffff;
	v2 =	vmov v17  }
0x64: {  	_ =	sdelay $0x3  }
0x65: {  	[tilespmem:s2+$0xFFFFFFE0] =	vst v7;
	v3 =	vld.idx.msk [tilespmem:v3+s15+$0x0], $0xffff  }
0x66: {  	s0 =	sadd.s32 $0x40, s0;
	[tilespmem:s3+$0xFFFFFFF0] =	vst v5  }
0x67: {  	v1 =	vld.idx.msk [tilespmem:v1+s15+$0x0], $0xffff;
	[tilespmem:s0+$0x10] =	vst v6  }
0x68: {  	v5 =	vld.idx.msk [tilespmem:v11+s15+$0x0], $0xffff;
	[tilespmem:s0+$0xFFFFFFF0] =	vst v8  }
0x69: {  	[tilespmem:s0+$0x0] =	vst v9;
	v0 =	vld.idx.msk [tilespmem:v0+s15+$0x0], $0xffff  }
0x6a: {  	v2 =	vld.idx.msk [tilespmem:v2+s15+$0x0], $0xffff;
	[tilespmem:s0+$0xFFFFFFE0] =	vst v3  }
0x6b: {  	[tilespmem:s3+$0x0] =	vst v10;
	v3 =	vld.idx.msk [tilespmem:v4+s15+$0x0], $0xffff  }
0x6c: {  	s14 =	sadd.s32 $0x40, s3;
	[tilespmem:s3+$0xFFFFFFE0] =	vst v1  }
0x6d: {  	s3 =	sshll.u32 s29, $0x6;
	[tilespmem:s14+$0x10] =	vst v5  }
0x6e: {  	s4 =	sshll.u32 s30, $0xA;
	s0 =	sand.u32 $0x40, s3;
	[tilespmem:s14+$0xFFFFFFF0] =	vst v0  }
0x6f: {  	s31 =	sand.u32 $0xFFFE000, s4;
	s12 =	sadd.s32 s6, s0;
	[tilespmem:s14+$0x0] =	vst v2  }
0x70: {  	[tilespmem:s14+$0xFFFFFFE0] =	vst v3;
	s14 =	sadd.s32 s31, s12  }
0x71: {  	[hbm4b:s14+s18] =	stream.strided.scatter [tilespmem:s20], [sflag:$0x3], $0x2000, s19, s18, $0x38;
	[tilespmem:$0x1E000] =	vst v63  }
0x72: {  	s2 =	sadd.s32 $0x10, s14  }
0x73: {  	[hbm4b:s2+s18] =	stream.strided.scatter [tilespmem:s21], [sflag:$0x3], $0x2000, s19, s18, $0x38;
	[tilespmem:$0x1E000] =	vst v63  }
0x74: {  	s2 =	sadd.s32 $0x4, s30  }
0x75: {  	p1 =	sge.u32 s2, s10  }
0x76: {  	s2 =	sshll.u32 @!p1 s2, $0xB  }
0x77: {  	s2 =	sand.u32 @!p1 $0x1FFFE000, s2  }
0x78: {  	s3 =	simm.s32 @!p1 $0x0;
	s4 =	simm.s32 @!p1 $0x6000;
	s2 =	sadd.s32 @!p1 s1, s2  }
0x79: {  	[tilespmem:s4], [sflag:$0x1] =	stream.linear.gather @!p1 [hbm4b:s2+s3], $0x8000, $0x38;
	[tilespmem:$0x1E000] =	vst v63  }
0x7a: {  	_ =	swait.ge [sflag:s22], $0x8000  }
0x7b: {  	[sflag:s22] =	ssyncset.done $0x0  }
0x7c: {  	s2 =	simm.s32 @!p0 $0x4;
	[sflag:s22] =	ssyncadd.s32 $0xFFFF8000  }
0x7d: {  	_ =	swait.ge @!p0 [sflag:s2], $0x2000  }
0x7e: {  	[sflag:s2] =	ssyncset.done @!p0 $0x0  }
0x7f: {  	[sflag:s2] =	ssyncadd.s32 @!p0 $0xFFFFE000  }
0x80: {  	_ =	swait.ge @!p0 [sflag:s2], $0x2000  }
0x81: {  	[sflag:s2] =	ssyncset.done @!p0 $0x0  }
0x82: {  	s3 =	simm.s32 $0x20;
	[sflag:s2] =	ssyncadd.s32 @!p0 $0xFFFFE000  }
0x83: {  	v0 =	vld [tilespmem:s3+$0x10]  }
0x84: {  	v1 =	vld [tilespmem:s3+$0xFFFFFFF0]  }
0x85: {  	v2 =	vld [tilespmem:s3+$0x0]  }
0x86: {  	s4 =	simm.s32 $0x60;
	v3 =	vld [tilespmem:s3+$0xFFFFFFE0]  }
0x87: {  	v6 =	vld [tilespmem:s4+$0x10]  }
0x88: {  	v7 =	vld [tilespmem:s4+$0xFFFFFFF0]  }
0x89: {  	v8 =	vld [tilespmem:s4+$0x0]  }
0x8a: {  	s14 =	simm.s32 $0xA0;
	v10 =	vld [tilespmem:s4+$0xFFFFFFE0]  }
0x8b: {  	v12 =	vld [tilespmem:s14+$0x10]  }
0x8c: {  	v13 =	vld [tilespmem:s14+$0xFFFFFFF0]  }
0x8d: {  	v15 =	vld [tilespmem:s14+$0x0]  }
0x8e: {  	v5 =	vld.idx.msk [tilespmem:v1+s16+$0x0], $0xffff  }
0x8f: {  	v4 =	vld.idx.msk [tilespmem:v0+s16+$0x0], $0xffff  }
0x90: {  	v9 =	vld.idx.msk [tilespmem:v2+s16+$0x0], $0xffff  }
0x91: {  	v11 =	vld.idx.msk [tilespmem:v7+s16+$0x0], $0xffff  }
0x92: {  	s12 =	simm.s32 $0x1A020;
	v0 =	vadd.s32 $0x4000, v0;
	v17 =	vld.idx.msk [tilespmem:v10+s16+$0x0], $0xffff  }
0x93: {  	v1 =	vadd.s32 $0x4000, v1;
	[tilespmem:s12+$0xFFFFFFF0] =	vst v5;
	v5 =	vld.idx.msk [tilespmem:v3+s16+$0x0], $0xffff  }
0x94: {  	v2 =	vadd.s32 $0x4000, v2;
	[tilespmem:s12+$0x10] =	vst v4;
	v4 =	vld.idx.msk [tilespmem:v6+s16+$0x0], $0xffff  }
0x95: {  	[tilespmem:s12+$0x0] =	vst v9;
	v9 =	vld.idx.msk [tilespmem:v8+s16+$0x0], $0xffff  }
0x96: {  	v18 =	vadd.s32 $0x4000, v8;
	v6 =	vadd.s32 $0x4000, v6;
	v8 =	vld.idx.msk [tilespmem:v13+s16+$0x0], $0xffff  }
0x97: {  	s3 =	simm.s32 $0x1A060;
	v3 =	vadd.s32 $0x4000, v3;
	v0 =	vld.idx.msk [tilespmem:v0+s16+$0x0], $0xffff  }
0x98: {  	v14 =	vadd.s32 $0x4000, v7;
	[tilespmem:s3+$0xFFFFFFF0] =	vst v11;
	v1 =	vld.idx.msk [tilespmem:v1+s16+$0x0], $0xffff  }
0x99: {  	[tilespmem:s3+$0xFFFFFFE0] =	vst v17;
	v2 =	vld.idx.msk [tilespmem:v2+s16+$0x0], $0xffff  }
0x9a: {  	[tilespmem:s3+$0x10] =	vst v4;
	v4 =	vld [tilespmem:s14+$0xFFFFFFE0]  }
0x9b: {  	[tilespmem:s12+$0xFFFFFFE0] =	vst v5;
	v16 =	vld.idx.msk [tilespmem:v6+s16+$0x0], $0xffff  }
0x9c: {  	s4 =	simm.s32 $0x1C020;
	[tilespmem:s3+$0x0] =	vst v9;
	v7 =	vld.idx.msk [tilespmem:v3+s16+$0x0], $0xffff  }
0x9d: {  	v5 =	vld.idx.msk [tilespmem:v14+s16+$0x0], $0xffff;
	[tilespmem:s4+$0x10] =	vst v0  }
0x9e: {  	[tilespmem:s4+$0xFFFFFFF0] =	vst v1;
	v6 =	vld.idx.msk [tilespmem:v12+s16+$0x0], $0xffff  }
0x9f: {  	s2 =	simm.s32 $0x1C060;
	v11 =	vadd.s32 $0x4000, v12;
	v9 =	vld.idx.msk [tilespmem:v15+s16+$0x0], $0xffff;
	[tilespmem:s4+$0x0] =	vst v2;
	v1 =	vadd.s32 $0x4000, v10  }
0xa0: {  	s12 =	simm.s32 $0x8;
	s14 =	simm.s32 $0xE0;
	v0 =	vadd.s32 $0x4000, v13;
	v2 =	vadd.s32 $0x4000, v15;
	v10 =	vld.idx.msk [tilespmem:v18+s16+$0x0], $0xffff;
	v3 =	vadd.s32 $0x4000, v4;
	[tilespmem:s2+$0x10] =	vst v16  }
.LBB2_7:
0xa1: {  	v12 =	vld [tilespmem:s14+$0x10];
	s12 =	sadd.s32 $0x4, s12;
	[tilespmem:s4+$0xFFFFFFE0] =	vst v7;
	s4 =	smov.u32 s2  }
0xa2: {  	s3 =	sadd.s32 $0x40, s3;
	v13 =	vld [tilespmem:s14+$0xFFFFFFF0];
	p0 =	slt.u32 s12, $0x1F8;
	[tilespmem:s2+$0xFFFFFFF0] =	vst v5  }
0xa3: {  	v14 =	vld [tilespmem:s14+$0x0];
	[tilespmem:s3+$0x10] =	vst v6  }
0xa4: {  	[tilespmem:s3+$0xFFFFFFF0] =	vst v8;
	v11 =	vld.idx.msk [tilespmem:v11+s16+$0x0], $0xffff  }
0xa5: {  	v15 =	vld [tilespmem:s14+$0xFFFFFFE0];
	[tilespmem:s3+$0x0] =	vst v9  }
0xa6: {  	v16 =	vld.idx.msk [tilespmem:v4+s16+$0x0], $0xffff;
	[tilespmem:s2+$0x0] =	vst v10  }
0xa7: {  	v4 =	vadd.s32 $0x4000, v13;
	v7 =	vld.idx.msk [tilespmem:v1+s16+$0x0], $0xffff;
	v1 =	vmov v3  }
.Ltmp2:
0xa8: {  	v17 =	vadd.s32 $0x4000, v14;
	v5 =	vld.idx.msk [tilespmem:v0+s16+$0x0], $0xffff;
	v0 =	vmov v4;
	(pc) =	sbr.rel @p0 .LBB2_7-.Ltmp2, $4  }
0xa9: {  	s2 =	sadd.s32 $0x40, s2;
	v6 =	vld.idx.msk [tilespmem:v12+s16+$0x0], $0xffff  }
0xaa: {  	v3 =	vadd.s32 $0x4000, v15;
	v8 =	vld.idx.msk [tilespmem:v13+s16+$0x0], $0xffff;
	[tilespmem:s2+$0x10] =	vst v11;
	v4 =	vmov v15  }
0xab: {  	v11 =	vadd.s32 $0x4000, v12;
	v9 =	vld.idx.msk [tilespmem:v14+s16+$0x0], $0xffff  }
0xac: {  	s14 =	sadd.s32 $0x40, s14;
	[tilespmem:s3+$0xFFFFFFE0] =	vst v16;
	v10 =	vld.idx.msk [tilespmem:v2+s16+$0x0], $0xffff;
	v2 =	vmov v17  }
0xad: {  	_ =	sdelay $0x3  }
0xae: {  	[tilespmem:s4+$0xFFFFFFE0] =	vst v7;
	v4 =	vld.idx.msk [tilespmem:v4+s16+$0x0], $0xffff  }
0xaf: {  	s3 =	sadd.s32 $0x40, s3;
	[tilespmem:s2+$0xFFFFFFF0] =	vst v5  }
0xb0: {  	v1 =	vld.idx.msk [tilespmem:v1+s16+$0x0], $0xffff;
	[tilespmem:s3+$0x10] =	vst v6  }
0xb1: {  	v63 =	vld.idx.msk [tilespmem:v11+s16+$0x0], $0xffff;
	[tilespmem:s3+$0xFFFFFFF0] =	vst v8  }
0xb2: {  	[tilespmem:s3+$0x0] =	vst v9;
	v0 =	vld.idx.msk [tilespmem:v0+s16+$0x0], $0xffff  }
0xb3: {  	v2 =	vld.idx.msk [tilespmem:v2+s16+$0x0], $0xffff;
	[tilespmem:s3+$0xFFFFFFE0] =	vst v4  }
0xb4: {  	[tilespmem:s2+$0x0] =	vst v10;
	v3 =	vld.idx.msk [tilespmem:v3+s16+$0x0], $0xffff  }
0xb5: {  	s14 =	sadd.s32 $0x40, s2;
	[tilespmem:s2+$0xFFFFFFE0] =	vst v1  }
0xb6: {  	[tilespmem:s14+$0x10] =	vst v63  }
0xb7: {  	s0 =	sadd.s32 s0, s6;
	[tilespmem:s14+$0xFFFFFFF0] =	vst v0  }
0xb8: {  	s0 =	sadd.s32 s31, s0;
	[tilespmem:s14+$0x0] =	vst v2  }
0xb9: {  	s31 =	sadd.s32 $0x20, s0;
	[tilespmem:s14+$0xFFFFFFE0] =	vst v3  }
0xba: {  	[hbm4b:s31+s18] =	stream.strided.scatter [tilespmem:s23], [sflag:$0x4], $0x2000, s19, s18, $0x38;
	[tilespmem:$0x1E000] =	vst v63  }
0xbb: {  	s0 =	sadd.s32 $0x30, s0  }
0xbc: {  	[hbm4b:s0+s18] =	stream.strided.scatter [tilespmem:s24], [sflag:$0x4], $0x2000, s19, s18, $0x38;
	[tilespmem:$0x1E000] =	vst v63  }
0xbd: {  	s0 =	sadd.s32 $0x6, s30  }
0xbe: {  	p0 =	sge.u32 s0, s10  }
0xbf: {  	s0 =	sshll.u32 @!p0 s0, $0xB  }
0xc0: {  	s29 =	sadd.s32 $0x1, s29;
	s0 =	sand.u32 @!p0 $0x1FFFF000, s0  }
0xc1: {  	s2 =	simm.s32 @!p0 $0x0;
	s3 =	simm.s32 @!p0 $0xE000;
	s0 =	sadd.s32 @!p0 s1, s0  }
0xc2: {  	[tilespmem:s3], [sflag:$0x2] =	stream.linear.gather @!p0 [hbm4b:s0+s2], $0x8000, $0x38;
	[tilespmem:$0x1E000] =	vst v63  }
0xc3: {  	p0 =	sne.s32 s29, $0x20  }
.Ltmp3:
0xc4: {  	_ = 	snop;
	(pc) =	sbr.rel @p0 .LBB2_4-.Ltmp3, $1  }
0xc5: {  	_ =	sdelay $0x3  }
0xc6: {  	_ =	swait.ge [sflag:s25], $0x2000  }
0xc7: {  	[sflag:s25] =	ssyncset.done $0x0  }
0xc8: {  	[sflag:s25] =	ssyncadd.s32 $0xFFFFE000  }
0xc9: {  	_ =	swait.ge [sflag:s25], $0x2000  }
0xca: {  	[sflag:s25] =	ssyncset.done $0x0  }
0xcb: {  	s28 =	sadd.s32 $0x1, s28;
	[sflag:s25] =	ssyncadd.s32 $0xFFFFE000  }
0xcc: {  	p0 =	sne.s32 s28, s11;
	_ =	swait.ge [sflag:s26], $0x2000  }
.Ltmp4:
0xcd: {  	[sflag:s26] =	ssyncset.done $0x0;
	(pc) =	sbr.rel @p0 .LBB2_1-.Ltmp4, $4  }
0xce: {  	[sflag:s26] =	ssyncadd.s32 $0xFFFFE000  }
0xcf: {  	_ =	swait.ge [sflag:s26], $0x2000  }
0xd0: {  	[sflag:s26] =	ssyncset.done $0x0  }
0xd1: {  	[sflag:s26] =	ssyncadd.s32 $0xFFFFE000  }
0xd2: {  	_ =	sfence.sel $0x180000  }
0xd3: {  	[bflag:$0x0] =	sbarrier.arrive $0xFFFF  }
0xd4: {  	_ =	strace $0x90000047  }
0xd5: {  	s0 =	stileid.u32;
	[bflag:$0x2] =	sbarrier.arrive $0xFFFF  }
0xd6: {  	p0 =	sne.s32 s0, $0x0;
	s0 =	rddreg [dreg:$0x4]  }
0xd7: {  	s0 =	sadd.s32 @!p0 $0x100000, s0  }
0xd8: {  	[sflag:s0] =	ssyncadd.tile.s32 @!p0 $0x1;
	_ =	shalt  }
.Lfunc_end2:
_tile_overlayer_lowered:
.L_overlay_start_2:
0xd9: {  	(tag) =	ssettag $0x2  }
0xda: {  	s0 =	rddreg [dreg:$0x0];
	s2 =	stileid.u32  }
0xdb: {  	s1 =	rddreg [dreg:$0x1];
	p0 =	sne.s32 s2, $0x0  }
0xdc: {  	s3 =	rddreg [dreg:$0x2];
	[bflag:$0x3] =	sbarrier.arrive $0xFFFF;
	s2 =	simm.s32 @!p0 $0x1C05  }
0xdd: {  	[timem:s3], [sflag:s2] =	dma.local @!p0 [hbm:s0], s1  }
0xde: {  	s0 =	simm.s32 @!p0 $0x5  }
0xdf: {  	_ =	swait.ge @!p0 [sflag:s0], s1  }
0xe0: {  	s1 =	ssub.s32 @!p0 $0x0, s1;
	[sflag:s0] =	ssyncset.done @!p0 $0x0  }
0xe1: {  	[sflag:s0] =	ssyncadd.s32 @!p0 s1  }
0xe2: {  	[bflag:$0x3] =	sbarrier.arrive $0xFFFF  }
0xe3: {  	_ =	shalt  }

</sc_bundles>
